<compile_context>
chip_gen: v7x
topology: tpu7x:2x2x1
jax: 0.10.2.dev20260603
libtpu: 0.0.44.dev20260713+nightly
codegen_flags: <defaults>
</compile_context>

<pallas_src>
import jax
import jax.numpy as jnp
from jax import lax
from jax.experimental import pallas as pl
from jax.experimental.pallas import tpu as pltpu
from jax.experimental.pallas import tpu_sc as plsc

B = 16
S = 4096
LANES = 16


def _lane_sum(vec):
    total = vec[0]
    for i in range(1, LANES):
        total = total + vec[i]
    return total


def _ccc_body(yt_hbm, yp_hbm, m_hbm, out_hbm, yt_v, yp_v, m_v, stage_v,
              acc_v, shared, sem):
    row = lax.axis_index("s")

    cp_t = pltpu.make_async_copy(yt_hbm.at[row], yt_v, sem)
    cp_p = pltpu.make_async_copy(yp_hbm.at[row], yp_v, sem)
    cp_t.start()
    cp_p.start()
    pltpu.sync_copy(m_hbm.at[row], m_v)

    cp_t.wait()
    cp_p.wait()
    stage_v[...] = m_v[pl.ds(0, LANES)].astype(jnp.float32)
    pltpu.sync_copy(stage_v, shared.at[pl.ds(row * LANES, LANES)])

    plsc.subcore_barrier()

    @pl.when(row == 0)
    def _combine():
        pltpu.sync_copy(shared, acc_v)
        tot = jnp.zeros((LANES,), jnp.float32)
        for i in range(B):
            tot = tot + acc_v[pl.ds(i * LANES, LANES)]
        stage_v[...] = tot * jnp.float32(1.0 / B)
        pltpu.sync_copy(stage_v, out_hbm)


_ccc_call = pl.kernel(
    _ccc_body,
    out_type=jax.ShapeDtypeStruct((LANES,), jnp.float32),
    mesh=plsc.VectorSubcoreMesh(core_axis_name="c", subcore_axis_name="s",
                                num_cores=1),
    scratch_types=[
        pltpu.VMEM((S,), jnp.float32),
        pltpu.VMEM((S,), jnp.float32),
        pltpu.VMEM((S,), jnp.int32),
        pltpu.VMEM((LANES,), jnp.float32),
        pltpu.VMEM((B * LANES,), jnp.float32),
        pltpu.VMEM_SHARED((B * LANES,), jnp.float32),
        pltpu.SemaphoreType.DMA,
    ],
)


def kernel(y_true, y_pred, mask):
    out = _ccc_call(y_true, y_pred, mask)
    return out[0]

# --- scband reference (transcript-rebuilt; emitter-appended) ---
"""Pipeline reference for scband-concordance-cc-47562467836084 (READ-ONLY COPY).

The authoritative reference and input builder live on the scoring server;
editing this copy changes nothing except your own understanding.
"""

import jax, jax.numpy as jnp
import numpy as np


def setup_inputs(seed: int = 0) -> dict:
    key = jax.random.key(seed)
    k1, k2, k3 = jax.random.split(key, 3)
    B, S = 16, 4096
    y_true = jax.random.normal(k1, (B, S), dtype=jnp.float32)
    y_pred = jax.random.normal(k2, (B, S), dtype=jnp.float32)
    mask = jax.random.randint(k3, (B, S), 0, 2).astype(jnp.int32)
    return {"y_true": y_true, "y_pred": y_pred, "mask": mask}


def reference(y_true, y_pred, mask):
    # Faithful translation of the torch forward (including the literal
    # (mean_true - mean_pred) * 2 term from the original code).
    B, S = y_true.shape
    # mask_ = torch.sum(mask[i], dim=-1) -> per-sample ragged length
    lengths = jnp.sum(mask, axis=-1)
    positions = jnp.arange(S)
    ccc_metric = jnp.float32(0.0)
    for i in range(B):
        L = lengths[i].astype(jnp.float32)
        w = (positions < lengths[i]).astype(y_true.dtype)
        yt = y_true[i] * w
        yp = y_pred[i] * w
        mean_true = jnp.sum(yt) / L
        mean_pred = jnp.sum(yp) / L
        var_true = jnp.sum(((y_true[i] - mean_true) * w) ** 2) / (L - 1)   # torch.var default unbiased
        var_pred = jnp.sum(((y_pred[i] - mean_pred) * w) ** 2) / (L - 1)
        yt_c = (y_true[i] - mean_true) * w
        yp_c = (y_pred[i] - mean_pred) * w
        pair = jnp.stack((yt_c, yp_c))
        cov = (pair @ pair.T)[0, 1] / (L - 1)                              # torch.cov default correction=1
        ccc = 2 * cov / (var_true + var_pred + (mean_true - mean_pred) * 2)
        ccc_metric = ccc_metric + ccc
    return ccc_metric / B

if __name__ == "__main__":
    import jax
    _d = setup_inputs()
    print(jax.jit(kernel)(*tuple(_d.values())))

</pallas_src>

<mosaic_0001>
#map = affine_map<(d0, d1) -> (0, 0)>
#map1 = affine_map<(d0, d1) -> (0)>
module attributes {stable_mosaic.version = 14 : i64} {
  func.func @_ccc_body(%arg0: i32, %arg1: i32, %arg2: memref<16x4096xf32, #tpu.memory_space<hbm>>, %arg3: memref<16x4096xf32, #tpu.memory_space<hbm>>, %arg4: memref<16x4096xi32, #tpu.memory_space<hbm>>, %arg5: memref<16xf32, #tpu.memory_space<hbm>>, %arg6: memref<4096xf32, #tpu.memory_space<vmem>>, %arg7: memref<4096xf32, #tpu.memory_space<vmem>>, %arg8: memref<4096xi32, #tpu.memory_space<vmem>>, %arg9: memref<16xf32, #tpu.memory_space<vmem>>, %arg10: memref<256xf32, #tpu.memory_space<vmem>>, %arg11: memref<256xf32, #tpu.memory_space<vmem_shared>>, %arg12: memref<!tpu.dma_semaphore, #tpu.memory_space<semaphore_mem>>) attributes {dimension_semantics = [#tpu.dimension_semantics<core_parallel>, #tpu.dimension_semantics<subcore_parallel>], iteration_bounds = array<i64: 1, 16>, scalar_prefetch = 0 : i64, scratch_operands = 7 : i64, tpu.core_type = #tpu.core_type<sc_vector_subcore>, window_params = [{transform_indices = #map}, {transform_indices = #map}, {transform_indices = #map}, {transform_indices = #map1}]} {
    %dma_start3A = arith.constant 0 : i32
    %dma_start3A_0 = tpu.memref_slice %arg2[%arg1, %dma_start3A] : memref<16x4096xf32, #tpu.memory_space<hbm>> -> memref<1x4096xf32, #tpu.memory_space<hbm>>
    %dma_start3A_1 = tpu.memref_squeeze %dma_start3A_0 : memref<1x4096xf32, #tpu.memory_space<hbm>> -> memref<4096xf32, #tpu.memory_space<hbm>>
    %dma_start3A_2 = arith.constant 0 : i32
    %dma_start3A_3 = tpu.memref_slice %arg2[%arg1, %dma_start3A_2] : memref<16x4096xf32, #tpu.memory_space<hbm>> -> memref<1x4096xf32, #tpu.memory_space<hbm>>
    %dma_start3A_4 = tpu.memref_squeeze %dma_start3A_3 : memref<1x4096xf32, #tpu.memory_space<hbm>> -> memref<4096xf32, #tpu.memory_space<hbm>>
    tpu.enqueue_dma source(%dma_start3A_4 : memref<4096xf32, #tpu.memory_space<hbm>>) target(%arg6 : memref<4096xf32, #tpu.memory_space<vmem>>) target_semaphore(%arg12 : memref<!tpu.dma_semaphore, #tpu.memory_space<semaphore_mem>>)
    %dma_start3A_5 = arith.constant 0 : i32
    %dma_start3A_6 = tpu.memref_slice %arg3[%arg1, %dma_start3A_5] : memref<16x4096xf32, #tpu.memory_space<hbm>> -> memref<1x4096xf32, #tpu.memory_space<hbm>>
    %dma_start3A_7 = tpu.memref_squeeze %dma_start3A_6 : memref<1x4096xf32, #tpu.memory_space<hbm>> -> memref<4096xf32, #tpu.memory_space<hbm>>
    %dma_start3A_8 = arith.constant 0 : i32
    %dma_start3A_9 = tpu.memref_slice %arg3[%arg1, %dma_start3A_8] : memref<16x4096xf32, #tpu.memory_space<hbm>> -> memref<1x4096xf32, #tpu.memory_space<hbm>>
    %dma_start3A_10 = tpu.memref_squeeze %dma_start3A_9 : memref<1x4096xf32, #tpu.memory_space<hbm>> -> memref<4096xf32, #tpu.memory_space<hbm>>
    tpu.enqueue_dma source(%dma_start3A_10 : memref<4096xf32, #tpu.memory_space<hbm>>) target(%arg7 : memref<4096xf32, #tpu.memory_space<vmem>>) target_semaphore(%arg12 : memref<!tpu.dma_semaphore, #tpu.memory_space<semaphore_mem>>)
    "tpu.region"() ({
      %run_scoped3A = tpu.sem_alloc : memref<!tpu.dma_semaphore, #tpu.memory_space<semaphore_mem>>
      %dma_start3A_31 = arith.constant 0 : i32
      %dma_start3A_32 = tpu.memref_slice %arg4[%arg1, %dma_start3A_31] : memref<16x4096xi32, #tpu.memory_space<hbm>> -> memref<1x4096xi32, #tpu.memory_space<hbm>>
      %dma_start3A_33 = tpu.memref_squeeze %dma_start3A_32 : memref<1x4096xi32, #tpu.memory_space<hbm>> -> memref<4096xi32, #tpu.memory_space<hbm>>
      %dma_start3A_34 = arith.constant 0 : i32
      %dma_start3A_35 = tpu.memref_slice %arg4[%arg1, %dma_start3A_34] : memref<16x4096xi32, #tpu.memory_space<hbm>> -> memref<1x4096xi32, #tpu.memory_space<hbm>>
      %dma_start3A_36 = tpu.memref_squeeze %dma_start3A_35 : memref<1x4096xi32, #tpu.memory_space<hbm>> -> memref<4096xi32, #tpu.memory_space<hbm>>
      tpu.enqueue_dma source(%dma_start3A_36 : memref<4096xi32, #tpu.memory_space<hbm>>) target(%arg8 : memref<4096xi32, #tpu.memory_space<vmem>>) target_semaphore(%run_scoped3A : memref<!tpu.dma_semaphore, #tpu.memory_space<semaphore_mem>>)
      %dma_wait3A_37 = arith.constant 0 : i32
      %dma_wait3A_38 = tpu.memref_slice %arg4[%arg1, %dma_wait3A_37] : memref<16x4096xi32, #tpu.memory_space<hbm>> -> memref<1x4096xi32, #tpu.memory_space<hbm>>
      %dma_wait3A_39 = tpu.memref_squeeze %dma_wait3A_38 : memref<1x4096xi32, #tpu.memory_space<hbm>> -> memref<4096xi32, #tpu.memory_space<hbm>>
      %dma_wait3A_40 = arith.constant 0 : i32
      %dma_wait3A_41 = tpu.memref_slice %arg4[%arg1, %dma_wait3A_40] : memref<16x4096xi32, #tpu.memory_space<hbm>> -> memref<1x4096xi32, #tpu.memory_space<hbm>>
      %dma_wait3A_42 = tpu.memref_squeeze %dma_wait3A_41 : memref<1x4096xi32, #tpu.memory_space<hbm>> -> memref<4096xi32, #tpu.memory_space<hbm>>
      tpu.wait_dma2 semaphore(%run_scoped3A : memref<!tpu.dma_semaphore, #tpu.memory_space<semaphore_mem>>) src(%dma_wait3A_42 : memref<4096xi32, #tpu.memory_space<hbm>>) dst(%arg8 : memref<4096xi32, #tpu.memory_space<vmem>>)
      tpu.yield
    }) : () -> ()
    %dma_wait3A = arith.constant 0 : i32
    %dma_wait3A_11 = tpu.memref_slice %arg2[%arg1, %dma_wait3A] : memref<16x4096xf32, #tpu.memory_space<hbm>> -> memref<1x4096xf32, #tpu.memory_space<hbm>>
    %dma_wait3A_12 = tpu.memref_squeeze %dma_wait3A_11 : memref<1x4096xf32, #tpu.memory_space<hbm>> -> memref<4096xf32, #tpu.memory_space<hbm>>
    %dma_wait3A_13 = arith.constant 0 : i32
    %dma_wait3A_14 = tpu.memref_slice %arg2[%arg1, %dma_wait3A_13] : memref<16x4096xf32, #tpu.memory_space<hbm>> -> memref<1x4096xf32, #tpu.memory_space<hbm>>
    %dma_wait3A_15 = tpu.memref_squeeze %dma_wait3A_14 : memref<1x4096xf32, #tpu.memory_space<hbm>> -> memref<4096xf32, #tpu.memory_space<hbm>>
    tpu.wait_dma2 semaphore(%arg12 : memref<!tpu.dma_semaphore, #tpu.memory_space<semaphore_mem>>) src(%dma_wait3A_15 : memref<4096xf32, #tpu.memory_space<hbm>>) dst(%arg6 : memref<4096xf32, #tpu.memory_space<vmem>>)
    %dma_wait3A_16 = arith.constant 0 : i32
    %dma_wait3A_17 = tpu.memref_slice %arg3[%arg1, %dma_wait3A_16] : memref<16x4096xf32, #tpu.memory_space<hbm>> -> memref<1x4096xf32, #tpu.memory_space<hbm>>
    %dma_wait3A_18 = tpu.memref_squeeze %dma_wait3A_17 : memref<1x4096xf32, #tpu.memory_space<hbm>> -> memref<4096xf32, #tpu.memory_space<hbm>>
    %dma_wait3A_19 = arith.constant 0 : i32
    %dma_wait3A_20 = tpu.memref_slice %arg3[%arg1, %dma_wait3A_19] : memref<16x4096xf32, #tpu.memory_space<hbm>> -> memref<1x4096xf32, #tpu.memory_space<hbm>>
    %dma_wait3A_21 = tpu.memref_squeeze %dma_wait3A_20 : memref<1x4096xf32, #tpu.memory_space<hbm>> -> memref<4096xf32, #tpu.memory_space<hbm>>
    tpu.wait_dma2 semaphore(%arg12 : memref<!tpu.dma_semaphore, #tpu.memory_space<semaphore_mem>>) src(%dma_wait3A_21 : memref<4096xf32, #tpu.memory_space<hbm>>) dst(%arg7 : memref<4096xf32, #tpu.memory_space<vmem>>)
    %get3A = arith.constant 0 : index
    %get3A_22 = tpu.vector_load %arg8[%get3A] {strides = array<i32>} : memref<4096xi32, #tpu.memory_space<vmem>>, vector<16xi32>,
    %get3A_23 = vector.shape_cast %get3A_22 : vector<16xi32> to vector<16xi32>
    %convert_element_type3A = arith.sitofp %get3A_23 : vector<16xi32> to vector<16xf32>
    %swap3A = arith.constant 0 : index
    %swap3A_24 = tpu.vector_load %arg9[%swap3A] {strides = array<i32>} : memref<16xf32, #tpu.memory_space<vmem>>, vector<16xf32>,
    %swap3A_25 = vector.shape_cast %swap3A_24 : vector<16xf32> to vector<16xf32>
    %swap3A_26 = vector.shape_cast %convert_element_type3A : vector<16xf32> to vector<16xf32>
    tpu.vector_store %arg9[%swap3A], %swap3A_26 {strides = array<i32>} : memref<16xf32, #tpu.memory_space<vmem>>, vector<16xf32>,
    %mul3A = arith.constant 16 : i32
    %mul3A_27 = arith.muli %arg1, %mul3A : i32
    "tpu.region"() ({
      %run_scoped3A = tpu.sem_alloc : memref<!tpu.dma_semaphore, #tpu.memory_space<semaphore_mem>>
      %dma_start3A_31 = tpu.memref_slice %arg11[%mul3A_27] : memref<256xf32, #tpu.memory_space<vmem_shared>> -> memref<16xf32, #tpu.memory_space<vmem_shared>>
      %dma_start3A_32 = tpu.memref_slice %arg11[%mul3A_27] : memref<256xf32, #tpu.memory_space<vmem_shared>> -> memref<16xf32, #tpu.memory_space<vmem_shared>>
      tpu.enqueue_dma source(%arg9 : memref<16xf32, #tpu.memory_space<vmem>>) target(%dma_start3A_32 : memref<16xf32, #tpu.memory_space<vmem_shared>>) target_semaphore(%run_scoped3A : memref<!tpu.dma_semaphore, #tpu.memory_space<semaphore_mem>>)
      %dma_wait3A_33 = tpu.memref_slice %arg11[%mul3A_27] : memref<256xf32, #tpu.memory_space<vmem_shared>> -> memref<16xf32, #tpu.memory_space<vmem_shared>>
      %dma_wait3A_34 = tpu.memref_slice %arg11[%mul3A_27] : memref<256xf32, #tpu.memory_space<vmem_shared>> -> memref<16xf32, #tpu.memory_space<vmem_shared>>
      tpu.wait_dma2 semaphore(%run_scoped3A : memref<!tpu.dma_semaphore, #tpu.memory_space<semaphore_mem>>) src(%arg9 : memref<16xf32, #tpu.memory_space<vmem>>) dst(%dma_wait3A_34 : memref<16xf32, #tpu.memory_space<vmem_shared>>)
      tpu.yield
    }) : () -> ()
    %barrier3A = arith.constant 0 : index
    tpu.barrier barrier_id(%barrier3A)
    %eq3A = arith.constant 0 : i32
    %eq3A_28 = arith.cmpi eq, %arg1, %eq3A : i32
    %convert_element_type3A_29 = arith.extui %eq3A_28 : i1 to i32
    %cond3A = arith.constant 0 : i32
    %cond3A_30 = arith.cmpi ne, %convert_element_type3A_29, %cond3A : i32
    scf.if %cond3A_30 {
      "tpu.region"() ({
        %run_scoped3A = tpu.sem_alloc : memref<!tpu.dma_semaphore, #tpu.memory_space<semaphore_mem>>
        tpu.enqueue_dma source(%arg11 : memref<256xf32, #tpu.memory_space<vmem_shared>>) target(%arg10 : memref<256xf32, #tpu.memory_space<vmem>>) target_semaphore(%run_scoped3A : memref<!tpu.dma_semaphore, #tpu.memory_space<semaphore_mem>>)
        tpu.wait_dma2 semaphore(%run_scoped3A : memref<!tpu.dma_semaphore, #tpu.memory_space<semaphore_mem>>) src(%arg11 : memref<256xf32, #tpu.memory_space<vmem_shared>>) dst(%arg10 : memref<256xf32, #tpu.memory_space<vmem>>)
        tpu.yield
      }) : () -> ()
      %broadcast_in_dim3A = arith.constant 0.000000e+00 : f32
      %broadcast_in_dim3A_31 = vector.broadcast %broadcast_in_dim3A : f32 to vector<16xf32>
      %get3A_32 = arith.constant 0 : index
      %get3A_33 = tpu.vector_load %arg10[%get3A_32] {strides = array<i32>} : memref<256xf32, #tpu.memory_space<vmem>>, vector<16xf32>,
      %get3A_34 = vector.shape_cast %get3A_33 : vector<16xf32> to vector<16xf32>
      %add3A = arith.addf %broadcast_in_dim3A_31, %get3A_34 : vector<16xf32>
      %get3A_35 = arith.constant 16 : index
      %get3A_36 = tpu.vector_load %arg10[%get3A_35] {strides = array<i32>} : memref<256xf32, #tpu.memory_space<vmem>>, vector<16xf32>,
      %get3A_37 = vector.shape_cast %get3A_36 : vector<16xf32> to vector<16xf32>
      %add3A_38 = arith.addf %add3A, %get3A_37 : vector<16xf32>
      %get3A_39 = arith.constant 32 : index
      %get3A_40 = tpu.vector_load %arg10[%get3A_39] {strides = array<i32>} : memref<256xf32, #tpu.memory_space<vmem>>, vector<16xf32>,
      %get3A_41 = vector.shape_cast %get3A_40 : vector<16xf32> to vector<16xf32>
      %add3A_42 = arith.addf %add3A_38, %get3A_41 : vector<16xf32>
      %get3A_43 = arith.constant 48 : index
      %get3A_44 = tpu.vector_load %arg10[%get3A_43] {strides = array<i32>} : memref<256xf32, #tpu.memory_space<vmem>>, vector<16xf32>,
      %get3A_45 = vector.shape_cast %get3A_44 : vector<16xf32> to vector<16xf32>
      %add3A_46 = arith.addf %add3A_42, %get3A_45 : vector<16xf32>
      %get3A_47 = arith.constant 64 : index
      %get3A_48 = tpu.vector_load %arg10[%get3A_47] {strides = array<i32>} : memref<256xf32, #tpu.memory_space<vmem>>, vector<16xf32>,
      %get3A_49 = vector.shape_cast %get3A_48 : vector<16xf32> to vector<16xf32>
      %add3A_50 = arith.addf %add3A_46, %get3A_49 : vector<16xf32>
      %get3A_51 = arith.constant 80 : index
      %get3A_52 = tpu.vector_load %arg10[%get3A_51] {strides = array<i32>} : memref<256xf32, #tpu.memory_space<vmem>>, vector<16xf32>,
      %get3A_53 = vector.shape_cast %get3A_52 : vector<16xf32> to vector<16xf32>
      %add3A_54 = arith.addf %add3A_50, %get3A_53 : vector<16xf32>
      %get3A_55 = arith.constant 96 : index
      %get3A_56 = tpu.vector_load %arg10[%get3A_55] {strides = array<i32>} : memref<256xf32, #tpu.memory_space<vmem>>, vector<16xf32>,
      %get3A_57 = vector.shape_cast %get3A_56 : vector<16xf32> to vector<16xf32>
      %add3A_58 = arith.addf %add3A_54, %get3A_57 : vector<16xf32>
      %get3A_59 = arith.constant 112 : index
      %get3A_60 = tpu.vector_load %arg10[%get3A_59] {strides = array<i32>} : memref<256xf32, #tpu.memory_space<vmem>>, vector<16xf32>,
      %get3A_61 = vector.shape_cast %get3A_60 : vector<16xf32> to vector<16xf32>
      %add3A_62 = arith.addf %add3A_58, %get3A_61 : vector<16xf32>
      %get3A_63 = arith.constant 128 : index
      %get3A_64 = tpu.vector_load %arg10[%get3A_63] {strides = array<i32>} : memref<256xf32, #tpu.memory_space<vmem>>, vector<16xf32>,
      %get3A_65 = vector.shape_cast %get3A_64 : vector<16xf32> to vector<16xf32>
      %add3A_66 = arith.addf %add3A_62, %get3A_65 : vector<16xf32>
      %get3A_67 = arith.constant 144 : index
      %get3A_68 = tpu.vector_load %arg10[%get3A_67] {strides = array<i32>} : memref<256xf32, #tpu.memory_space<vmem>>, vector<16xf32>,
      %get3A_69 = vector.shape_cast %get3A_68 : vector<16xf32> to vector<16xf32>
      %add3A_70 = arith.addf %add3A_66, %get3A_69 : vector<16xf32>
      %get3A_71 = arith.constant 160 : index
      %get3A_72 = tpu.vector_load %arg10[%get3A_71] {strides = array<i32>} : memref<256xf32, #tpu.memory_space<vmem>>, vector<16xf32>,
      %get3A_73 = vector.shape_cast %get3A_72 : vector<16xf32> to vector<16xf32>
      %add3A_74 = arith.addf %add3A_70, %get3A_73 : vector<16xf32>
      %get3A_75 = arith.constant 176 : index
      %get3A_76 = tpu.vector_load %arg10[%get3A_75] {strides = array<i32>} : memref<256xf32, #tpu.memory_space<vmem>>, vector<16xf32>,
      %get3A_77 = vector.shape_cast %get3A_76 : vector<16xf32> to vector<16xf32>
      %add3A_78 = arith.addf %add3A_74, %get3A_77 : vector<16xf32>
      %get3A_79 = arith.constant 192 : index
      %get3A_80 = tpu.vector_load %arg10[%get3A_79] {strides = array<i32>} : memref<256xf32, #tpu.memory_space<vmem>>, vector<16xf32>,
      %get3A_81 = vector.shape_cast %get3A_80 : vector<16xf32> to vector<16xf32>
      %add3A_82 = arith.addf %add3A_78, %get3A_81 : vector<16xf32>
      %get3A_83 = arith.constant 208 : index
      %get3A_84 = tpu.vector_load %arg10[%get3A_83] {strides = array<i32>} : memref<256xf32, #tpu.memory_space<vmem>>, vector<16xf32>,
      %get3A_85 = vector.shape_cast %get3A_84 : vector<16xf32> to vector<16xf32>
      %add3A_86 = arith.addf %add3A_82, %get3A_85 : vector<16xf32>
      %get3A_87 = arith.constant 224 : index
      %get3A_88 = tpu.vector_load %arg10[%get3A_87] {strides = array<i32>} : memref<256xf32, #tpu.memory_space<vmem>>, vector<16xf32>,
      %get3A_89 = vector.shape_cast %get3A_88 : vector<16xf32> to vector<16xf32>
      %add3A_90 = arith.addf %add3A_86, %get3A_89 : vector<16xf32>
      %get3A_91 = arith.constant 240 : index
      %get3A_92 = tpu.vector_load %arg10[%get3A_91] {strides = array<i32>} : memref<256xf32, #tpu.memory_space<vmem>>, vector<16xf32>,
      %get3A_93 = vector.shape_cast %get3A_92 : vector<16xf32> to vector<16xf32>
      %add3A_94 = arith.addf %add3A_90, %get3A_93 : vector<16xf32>
      %mul3A_95 = arith.constant 6.250000e-02 : f32
      %mul3A_96 = vector.broadcast %mul3A_95 : f32 to vector<16xf32>
      %mul3A_97 = arith.mulf %add3A_94, %mul3A_96 : vector<16xf32>
      %swap3A_98 = arith.constant 0 : index
      %swap3A_99 = tpu.vector_load %arg9[%swap3A_98] {strides = array<i32>} : memref<16xf32, #tpu.memory_space<vmem>>, vector<16xf32>,
      %swap3A_100 = vector.shape_cast %swap3A_99 : vector<16xf32> to vector<16xf32>
      %swap3A_101 = vector.shape_cast %mul3A_97 : vector<16xf32> to vector<16xf32>
      tpu.vector_store %arg9[%swap3A_98], %swap3A_101 {strides = array<i32>} : memref<16xf32, #tpu.memory_space<vmem>>, vector<16xf32>,
      "tpu.region"() ({
        %run_scoped3A = tpu.sem_alloc : memref<!tpu.dma_semaphore, #tpu.memory_space<semaphore_mem>>
        tpu.enqueue_dma source(%arg9 : memref<16xf32, #tpu.memory_space<vmem>>) target(%arg5 : memref<16xf32, #tpu.memory_space<hbm>>) target_semaphore(%run_scoped3A : memref<!tpu.dma_semaphore, #tpu.memory_space<semaphore_mem>>)
        tpu.wait_dma2 semaphore(%run_scoped3A : memref<!tpu.dma_semaphore, #tpu.memory_space<semaphore_mem>>) src(%arg9 : memref<16xf32, #tpu.memory_space<vmem>>) dst(%arg5 : memref<16xf32, #tpu.memory_space<hbm>>)
        tpu.yield
      }) : () -> ()
    } else {
    }
    return
  }
}

</mosaic_0001>

<sc_bundles>
// kernel: kernel.3.cloned.1.call-start
scs
__scs_entry_jumppad:
0x0: {  	(pc) =	sbr.rel $0x88, $3  }
0x1: {  	(tag) =	ssettag $0x0;
	lr =	simm.s32 $0x1  }
0x2: {  	[smem:$0x3F9E] =	sst lr;
	_ =	strace $0xD0000000  }
0x3: {  	_ = 	snop  }
0x4: {  	_ = 	snop  }
0x5: {  	_ = 	snop  }
0x6: {  	_ = 	snop  }
0x7: {  	_ = 	snop  }
__scs_overlays_trampoline_lowered:
0x8: {  	[smem:$0x3FAD] =	sst s0  }
0x9: {  	[smem:$0x3FAE] =	sst s1  }
0xa: {  	[smem:$0x3FAF] =	sst s2  }
0xb: {  	[smem:$0x3FB0] =	sst s3  }
0xc: {  	[smem:$0x3FB1] =	sst s4  }
0xd: {  	[smem:$0x3FB2] =	sst s5  }
0xe: {  	[smem:$0x3FB3] =	sst s6  }
0xf: {  	[smem:$0x3FB4] =	sst s7  }
0x10: {  	[smem:$0x3FB5] =	sst s8  }
0x11: {  	[smem:$0x3FB6] =	sst s9;
	s0 =	simm.s32 @!p0 $0x0  }
0x12: {  	s1 =	sld [smem:$0x3F9C];
	s0 =	simm.s32 @p0 $0x1  }
0x13: {  	[smem:$0x3FB7] =	sst s0;
	s0 =	simm.s32 @!p1 $0x0  }
0x14: {  	s2 =	sld [smem:$0x3F9B];
	s0 =	simm.s32 @p1 $0x1  }
0x15: {  	[smem:$0x3FB8] =	sst s0;
	s0 =	simm.s32 @!p2 $0x0  }
0x16: {  	s3 =	sld [smem:$0x3FDB];
	s0 =	simm.s32 @p2 $0x1  }
0x17: {  	s4 =	simm.s32 $0x1BF5;
	[smem:$0x3FBA] =	sst s0  }
0x18: {  	s0 =	sld [smem:$0x3F9D];
	_ =	swait.ge [sflag:s4], $0x0  }
0x19: {  	s7 =	sld [smem:$0x3F9E]  }
0x1a: {  	s8 =	sadd.s32 $0xFFFFE003, lr  }
0x1b: {  	s9 =	sadd.s32 $0xFFFFFEF7, lr;
	s5 =	simm.s32 $0xFFFFFFFF;
	p2 =	slt.u32 s8, $0xFFFFF086  }
0x1c: {  	p1 =	slt.u32 s9, $0xF7A;
	s5 =	simm.s32 @!p2 $0x0  }
0x1d: {  	s5 =	simm.s32 @p1 $0x1;
	p0 =	seq.s32 s7, s2  }
0x1e: {  	s7 =	smul.u32 @!p0 $0xF7A, s2;
	p2 =	seq.s32 @!p0 s5, $0x0  }
0x1f: {  	s9 =	smul.u32 $0xF7A, s1;
	s8 =	simm.s32 @!p0 $0x1BF5;
	p2 =	por !p2, p0  }
0x20: {  	[sflag:s8] =	ssyncset.s32 @!p0 $0xFFFFF086;
	s6 =	sadd.s32 @!p0 s3, s7;
	s7 =	simm.s32 @!p0 $0x108  }
0x21: {  	s3 =	sadd.s32 s3, s9;
	s6 =	sadd.s32 @!p0 $0x88, s6;
	s7 =	simm.s32 @p2 $0x1082  }
0x22: {  	[simem:s7], [sflag:s8] =	dma.local @!p0 [hbm:s6], $0xF7A  }
0x23: {  	s9 =	sor.u32 $0xD0000000, s2;
	s6 =	simm.s32 $0x108;
	_ =	swait.ge @!p0 [sflag:s8], $0x0  }
0x24: {  	s3 =	sadd.s32 $0x88, s3;
	s6 =	simm.s32 @!p1 $0x1082;
	[sflag:s4] =	ssyncset.s32 $0xFFFFF086  }
0x25: {  	[simem:s6], [sflag:s4] =	dma.local [hbm:s3], $0xF7A  }
0x26: {  	[smem:$0x3F9E] =	sst s1;
	(tag) =	ssettag s2;
	_ =	strace s9  }
0x27: {  	s1 =	sld [smem:$0x3FAE]  }
0x28: {  	s2 =	sld [smem:$0x3FAF]  }
0x29: {  	s4 =	sld [smem:$0x3FB1]  }
0x2a: {  	p0 =	seq.s32 s5, $0x0;
	s5 =	sld [smem:$0x3FB2]  }
0x2b: {  	s6 =	sld [smem:$0x3FB3]  }
0x2c: {  	s7 =	sld [smem:$0x3FB4]  }
0x2d: {  	s3 =	simm.s32 $0x108;
	s8 =	sld [smem:$0x3FB5]  }
0x2e: {  	s3 =	simm.s32 @!p0 $0x1082;
	s9 =	sld [smem:$0x3FB6]  }
0x2f: {  	lr =	sadd.s32 s0, s3;
	s0 =	sld [smem:$0x3FAD]  }
0x30: {  	s3 =	sld [smem:$0x3FB0]  }
0x31: {  	[smem:$0x3FB9] =	sst s10  }
0x32: {  	s10 =	sld [smem:$0x3FB7];
	_ =	sdelay $0x3  }
0x33: {  	p0 =	seq.s32 s10, $0x1;
	s10 =	sld [smem:$0x3FB9];
	_ =	sdelay $0x3  }
0x34: {  	[smem:$0x3FB9] =	sst s10  }
0x35: {  	s10 =	sld [smem:$0x3FB8];
	_ =	sdelay $0x3  }
0x36: {  	p1 =	seq.s32 s10, $0x1;
	s10 =	sld [smem:$0x3FB9];
	_ =	sdelay $0x3  }
0x37: {  	[smem:$0x3FB9] =	sst s10  }
0x38: {  	s10 =	sld [smem:$0x3FBA]  }
0x39: {  	_ = 	snop;
	(pc) =	sbr.ind lr, $3  }
0x3a: {  	_ = 	snop  }
0x3b: {  	_ = 	snop  }
0x3c: {  	p2 =	seq.s32 s10, $0x1;
	s10 =	sld [smem:$0x3FB9]  }
0x3d: {  	_ =	shalt  }
0x3e: {  	_ =	shalt  }
0x3f: {  	_ =	shalt  }
0x40: {  	_ =	shalt  }
0x41: {  	_ =	shalt  }
0x42: {  	_ =	shalt  }
0x43: {  	_ =	shalt  }
0x44: {  	_ =	shalt  }
0x45: {  	_ =	shalt  }
0x46: {  	_ =	shalt  }
0x47: {  	_ =	shalt  }
0x48: {  	_ =	shalt  }
0x49: {  	_ =	shalt  }
0x4a: {  	_ =	shalt  }
0x4b: {  	_ =	shalt  }
0x4c: {  	_ =	shalt  }
0x4d: {  	_ =	shalt  }
0x4e: {  	_ =	shalt  }
0x4f: {  	_ =	shalt  }
0x50: {  	_ =	shalt  }
0x51: {  	_ =	shalt  }
0x52: {  	_ =	shalt  }
0x53: {  	_ =	shalt  }
0x54: {  	_ =	shalt  }
0x55: {  	_ =	shalt  }
0x56: {  	_ =	shalt  }
0x57: {  	_ =	shalt  }
0x58: {  	_ =	shalt  }
0x59: {  	_ =	shalt  }
0x5a: {  	_ =	shalt  }
0x5b: {  	_ =	shalt  }
0x5c: {  	_ =	shalt  }
0x5d: {  	_ =	shalt  }
0x5e: {  	_ =	shalt  }
0x5f: {  	_ =	shalt  }
0x60: {  	_ =	shalt  }
0x61: {  	_ =	shalt  }
0x62: {  	_ =	shalt  }
0x63: {  	_ =	shalt  }
0x64: {  	_ =	shalt  }
0x65: {  	_ =	shalt  }
0x66: {  	_ =	shalt  }
0x67: {  	_ =	shalt  }
0x68: {  	_ =	shalt  }
0x69: {  	_ =	shalt  }
0x6a: {  	_ =	shalt  }
0x6b: {  	_ =	shalt  }
0x6c: {  	_ =	shalt  }
0x6d: {  	_ =	shalt  }
0x6e: {  	_ =	shalt  }
0x6f: {  	_ =	shalt  }
0x70: {  	_ =	shalt  }
0x71: {  	_ =	shalt  }
0x72: {  	_ =	shalt  }
0x73: {  	_ =	shalt  }
0x74: {  	_ =	shalt  }
0x75: {  	_ =	shalt  }
0x76: {  	_ =	shalt  }
0x77: {  	_ =	shalt  }
0x78: {  	_ =	shalt  }
0x79: {  	_ =	shalt  }
0x7a: {  	_ =	shalt  }
0x7b: {  	_ =	shalt  }
0x7c: {  	_ =	shalt  }
0x7d: {  	_ =	shalt  }
0x7e: {  	_ =	shalt  }
0x7f: {  	_ =	shalt  }
0x80: {  	_ =	shalt  }
0x81: {  	_ =	shalt  }
0x82: {  	_ =	shalt  }
0x83: {  	_ =	shalt  }
0x84: {  	_ =	shalt  }
0x85: {  	_ =	shalt  }
0x86: {  	_ =	shalt  }
0x87: {  	_ =	shalt  }
.Lfunc_end0:
.L_simem_size_0:
called_computation_lowered:
.L_overlay_start_0:
0x88: {  	s0 =	sld [smem:$0x3FD9]  }
0x89: {  	s1 =	sld [smem:$0x3FFE];
	_ =	sdelay $0x3  }
0x8a: {  	s0 =	sadd.s32 s1, s0  }
0x8b: {  	[smem:$0x3FC5] =	sst s0  }
0x8c: {  	_ = 	snop  }
0x8d: {  	s0 =	sld [smem:$0x3FC9]  }
0x8e: {  	s17 =	sld [smem:$0x3FC8]  }
0x8f: {  	s2 =	sld [smem:$0x3FC7]  }
0x90: {  	s3 =	sld [smem:$0x3FD0];
	(tm) =	ssettm $0x1  }
0x91: {  	s4 =	sld [smem:$0x3FFB];
	_ =	sdelay $0x3  }
0x92: {  	_ =	strace s4  }
0x93: {  	s4 =	sld [smem:$0x3FFC];
	_ =	sdelay $0x3  }
0x94: {  	_ =	strace s4  }
0x95: {  	s4 =	sld [smem:$0x3FFD];
	_ =	sdelay $0x3  }
0x96: {  	_ =	strace s4  }
0x97: {  	_ =	strace $0x8FFFFFFF  }
0x98: {  	s18 =	sld [smem:$0x3FDB];
	_ =	sdelay $0x1  }
0x99: {  	s5 =	simm.s32 $_scs_section_size  }
0x9a: {  	s6 =	simm.s32 $_size__tile_overlayer_lowered;
	s7 =	simm.s32 $_tile_overlayer_lowered  }
0x9b: {  	s21 =	simm.s32 $0x1BFF;
	s20 =	sshll.u32 s7, $0x1;
	s4 =	sadd.s32 s5, s18  }
0x9c: {  	s8 =	simm.s32 $0x0;
	s19 =	sshll.u32 s6, $0x1;
	s6 =	sadd.s32 s20, s4  }
0x9d: {  	[timem:s8], [sflag:s21] =	dma.local [hbm:s6], s19  }
0x9e: {  	_ =	swait.ge [sflag:s21], s19  }
0x9f: {  	s5 =	ssub.s32 $0x0, s19;
	[sflag:s21] =	ssyncset.done $0x0  }
0xa0: {  	[sflag:s21] =	ssyncadd.s32 s5;
	_ =	sdelay $0x1  }
0xa1: {  	s22 =	simm.s32 $0x1B8B  }
0xa2: {  	_ =	swait.ge [sflag:s22], $0x1  }
0xa3: {  	[sflag:s22] =	ssyncset.done $0x0  }
0xa4: {  	s23 =	simm.s32 $0x1B8E;
	[sflag:s22] =	ssyncadd.s32 $0xFFFFFFFF  }
0xa5: {  	s24 =	simm.s32 $execute0_lowered;
	[smem:$0x3FD2] =	sst s23  }
0xa6: {  	s5 =	sshll.u32 s24, $0x1;
	_ =	strace $0x80000046;
	[dreg:$0x1] =	wrdreg $0xFFFFFFFF  }
0xa7: {  	s25 =	simm.s32 $_size_execute0_lowered;
	s4 =	sadd.s32 s4, s5;
	[dreg:$0x0] =	wrdreg $0x0  }
0xa8: {  	s5 =	sshll.u32 s25, $0x1;
	[dreg:$0x2] =	wrdreg s4  }
0xa9: {  	[dreg:$0x3] =	wrdreg s5  }
0xaa: {  	[dreg:$0x4] =	wrdreg $0xC0  }
0xab: {  	_ =	task [dreg:s8], $0x5FFFF  }
0xac: {  	[dreg:$0x1] =	wrdreg $0xFFFFFFFF  }
0xad: {  	[dreg:$0x0] =	wrdreg $0x60  }
0xae: {  	[dreg:$0x2] =	wrdreg s0  }
0xaf: {  	[dreg:$0x3] =	wrdreg s17  }
0xb0: {  	[dreg:$0x4] =	wrdreg s2  }
0xb1: {  	[dreg:$0x5] =	wrdreg s3  }
0xb2: {  	[dreg:$0x6] =	wrdreg $0x31800  }
0xb3: {  	[dreg:$0x7] =	wrdreg $0x9  }
0xb4: {  	_ =	task.clear_ibuf [dreg:s8], $0x8FFFF;
	_ =	strace $0x90000046  }
0xb5: {  	s26 =	simm.s32 $0x9;
	_ =	strace $0x80000048  }
0xb6: {  	_ =	swait.ge [sflag:s26], $0x1  }
0xb7: {  	[sflag:s26] =	ssyncadd.s32 $0xFFFFFFFF  }
0xb8: {  	_ =	strace $0x90000048  }
0xb9: {  	_ =	sfence  }
0xba: {  	s28 =	sld [smem:$0x0];
	_ =	sdelay $0x1  }
0xbb: {  	s29 =	srdreg.scid  }
0xbc: {  	s30 =	sshll.u32 s29, $0xD;
	s31 =	sshrl.u32 s29, $0x2  }
0xbd: {  	s1 =	sand.u32 $0x1, s29;
	s2 =	sand.u32 $0x4000, s30;
	s0 =	sadd.s32 s31, s28  }
0xbe: {  	s1 =	sor.u32 s2, s1;
	s0 =	sshll.u32 s0, $0x11  }
0xbf: {  	s0 =	sor.u32 s0, s1  }
0xc0: {  	s0 =	sadd.s32 $0x8F2B, s0  }
0xc1: {  	[sflag:s0] =	ssyncadd.remote.s32 $0x1  }
0xc2: {  	_ =	sfence.sel $0xFFFF  }
0xc3: {  	[dreg:$0x0] =	wrdreg $0xFFFFFFFF;
	(pc) =	sbr.abs _section_cstart, $3  }
0xc4: {  	[dreg:$0x1] =	wrdreg $0xFFFFFFFF  }
0xc5: {  	_ =	task.clear_ibuf [dreg:s8], $0x2FFFF;
	_ =	strace $0x9FFFFFFF  }
0xc6: {  	(tm) =	ssettm $0x7FFFFFFF  }
0xc7: {  	_ =	shalt  }
tec
execute0_lowered:
.L_overlay_start_1:
0x0: {  	(tag) =	ssettag $0x1  }
0x1: {  	s2 =	rddreg [dreg:$0x0]  }
0x2: {  	s3 =	rddreg [dreg:$0x1]  }
0x3: {  	s4 =	rddreg [dreg:$0x2]  }
0x4: {  	s1 =	rddreg [dreg:$0x3];
	s6 =	stileid.u32  }
0x5: {  	s5 =	rddreg [dreg:$0x4];
	s8 =	sshll.u32 s6, $0x9;
	s9 =	sshll.u32 s6, $0x4  }
0x6: {  	s0 =	rddreg [dreg:$0x5];
	s7 =	simm.s32 $0x0;
	s8 =	sor.u32 s9, s8  }
0x7: {  	s10 =	simm.s32 $0x80;
	[smem:$0x7FF] =	sst s7;
	s8 =	sand.u32 $0x1070, s8  }
0x8: {  	s11 =	simm.s32 $0x400;
	_ =	strace $0x80000047;
	s2 =	sadd.s32 s2, s8  }
0x9: {  	[tilespmem:s7], [sflag:$0x1] =	stream.strided.gather [hbm4b:s2+s10], $0x1000, s11, s10, $0x38;
	[tilespmem:$0x3190] =	vst v63  }
0xa: {  	s24 =	simm.s32 $0x1000;
	s23 =	sadd.s32 s3, s8  }
0xb: {  	[tilespmem:s24], [sflag:$0x1] =	stream.strided.gather [hbm4b:s23+s10], $0x1000, s11, s10, $0x38;
	[tilespmem:$0x3190] =	vst v63  }
0xc: {  	s26 =	simm.s32 $0x2000;
	s28 =	simm.s32 $0x2;
	s25 =	sadd.s32 s4, s8  }
0xd: {  	[tilespmem:s26], [sflag:$0x2] =	stream.strided.gather [hbm4b:s25+s10], $0x1000, s11, s10, $0x38;
	[tilespmem:$0x3190] =	vst v63  }
0xe: {  	_ =	swait.ge [sflag:s28], $0x1000  }
0xf: {  	[sflag:s28] =	ssyncset.done $0x0  }
0x10: {  	s29 =	simm.s32 $0x1;
	[sflag:s28] =	ssyncadd.s32 $0xFFFFF000  }
0x11: {  	_ =	swait.ge [sflag:s29], $0x1000  }
0x12: {  	[sflag:s29] =	ssyncset.done $0x0  }
0x13: {  	[sflag:s29] =	ssyncadd.s32 $0xFFFFF000  }
0x14: {  	_ =	swait.ge [sflag:s29], $0x1000  }
0x15: {  	[sflag:s29] =	ssyncset.done $0x0  }
0x16: {  	[sflag:s29] =	ssyncadd.s32 $0xFFFFF000  }
0x17: {  	v0 =	vld [tilespmem:$0x2000];
	_ =	sdelay $0x4  }
0x18: {  	v0 =	vcvt.s32.f32 v0;
	_ =	sdelay $0x1  }
0x19: {  	s31 =	simm.s32 $0x3000;
	s30 =	sadd.s32 s9, s5;
	[tilespmem:$0x3000] =	vst v0  }
0x1a: {  	[spmem:s30] =	stream.linear.scatter [tilespmem:s31], [sflag:$0x2], $0x10, $0x38;
	[tilespmem:$0x3190] =	vst v63  }
0x1b: {  	_ =	swait.ge [sflag:s28], $0x10  }
0x1c: {  	[sflag:s28] =	ssyncset.done $0x0  }
0x1d: {  	[sflag:s28] =	ssyncadd.s32 $0xFFFFFFF0  }
0x1e: {  	p0 =	sne.s32 s6, $0x0;
	[bflag:$0x0] =	sbarrier.arrive $0xFFFF  }
0x1f: {  	_ =	sfence.sel @p0 $0x180000  }
0x20: {  	[bflag:$0x0] =	sbarrier.arrive @p0 $0xFFFF  }
0x21: {  	_ =	strace @p0 $0x90000047  }
0x22: {  	s2 =	simm.s32 @!p0 $0x3080;
	[bflag:$0x2] =	sbarrier.arrive @p0 $0xFFFF  }
0x23: {  	[tilespmem:s2], [sflag:$0x2] =	stream.linear.gather @!p0 [spmem:s5], $0x100, $0x38;
	[tilespmem:$0x3190] =	vst v63  }
0x24: {  	s2 =	simm.s32 @!p0 $0x2  }
0x25: {  	_ =	swait.ge @!p0 [sflag:s2], $0x100  }
0x26: {  	[sflag:s2] =	ssyncset.done @!p0 $0x0  }
0x27: {  	[sflag:s2] =	ssyncadd.s32 @!p0 $0xFFFFFF00  }
0x28: {  	v0 =	vld @!p0 [tilespmem:$0x3080];
	_ =	sdelay $0x1  }
0x29: {  	v1 =	vld @!p0 [tilespmem:$0x3090];
	_ =	sdelay $0x1  }
0x2a: {  	v2 =	vld @!p0 [tilespmem:$0x30A0]  }
0x2b: {  	v0 =	vadd.f32 @!p0 $0.0e+00, v0  }
0x2c: {  	v3 =	vld @!p0 [tilespmem:$0x30B0]  }
0x2d: {  	v0 =	vadd.f32 @!p0 v1, v0  }
0x2e: {  	v1 =	vld @!p0 [tilespmem:$0x30C0]  }
0x2f: {  	v0 =	vadd.f32 @!p0 v2, v0  }
0x30: {  	v2 =	vld @!p0 [tilespmem:$0x30D0]  }
0x31: {  	v0 =	vadd.f32 @!p0 v3, v0  }
0x32: {  	v3 =	vld @!p0 [tilespmem:$0x30E0]  }
0x33: {  	v0 =	vadd.f32 @!p0 v1, v0  }
0x34: {  	v1 =	vld @!p0 [tilespmem:$0x30F0]  }
0x35: {  	v0 =	vadd.f32 @!p0 v2, v0  }
0x36: {  	v2 =	vld @!p0 [tilespmem:$0x3100]  }
0x37: {  	v0 =	vadd.f32 @!p0 v3, v0  }
0x38: {  	v3 =	vld @!p0 [tilespmem:$0x3110]  }
0x39: {  	v0 =	vadd.f32 @!p0 v1, v0  }
0x3a: {  	v1 =	vld @!p0 [tilespmem:$0x3120]  }
0x3b: {  	v0 =	vadd.f32 @!p0 v2, v0  }
0x3c: {  	v2 =	vld @!p0 [tilespmem:$0x3130]  }
0x3d: {  	v0 =	vadd.f32 @!p0 v3, v0  }
0x3e: {  	v3 =	vld @!p0 [tilespmem:$0x3140]  }
0x3f: {  	v0 =	vadd.f32 @!p0 v1, v0  }
0x40: {  	v1 =	vld @!p0 [tilespmem:$0x3150]  }
0x41: {  	v0 =	vadd.f32 @!p0 v2, v0  }
0x42: {  	v2 =	vld @!p0 [tilespmem:$0x3160]  }
0x43: {  	v0 =	vadd.f32 @!p0 v3, v0  }
0x44: {  	v3 =	vld @!p0 [tilespmem:$0x3170]  }
0x45: {  	v0 =	vadd.f32 @!p0 v1, v0;
	_ =	sdelay $0x1  }
0x46: {  	v0 =	vadd.f32 @!p0 v2, v0;
	_ =	sdelay $0x1  }
0x47: {  	v0 =	vadd.f32 @!p0 v3, v0;
	_ =	sdelay $0x1  }
0x48: {  	v0 =	vmul.f32 @!p0 $6.250000000e-02, v0;
	_ =	sdelay $0x1  }
0x49: {  	s3 =	simm.s32 @!p0 $0x0;
	s4 =	simm.s32 @!p0 $0x3000;
	[tilespmem:$0x3000] =	vst @!p0 v0  }
0x4a: {  	[hbm4b:s1+s3] =	stream.linear.scatter @!p0 [tilespmem:s4], [sflag:$0x2], $0x80, $0x38;
	[tilespmem:$0x3190] =	vst v63  }
0x4b: {  	_ =	swait.ge @!p0 [sflag:s2], $0x80  }
0x4c: {  	[sflag:s2] =	ssyncset.done @!p0 $0x0  }
0x4d: {  	[sflag:s2] =	ssyncadd.s32 @!p0 $0xFFFFFF80  }
0x4e: {  	_ =	sfence.sel @!p0 $0x180000  }
0x4f: {  	[bflag:$0x0] =	sbarrier.arrive @!p0 $0xFFFF  }
0x50: {  	_ =	strace @!p0 $0x90000047  }
0x51: {  	s0 =	sadd.s32 @!p0 $0x100000, s0;
	[bflag:$0x2] =	sbarrier.arrive @!p0 $0xFFFF  }
0x52: {  	[sflag:s0] =	ssyncadd.tile.s32 @!p0 $0x1;
	_ =	shalt  }
.Lfunc_end2:
_tile_overlayer_lowered:
.L_overlay_start_2:
0x53: {  	(tag) =	ssettag $0x2  }
0x54: {  	s0 =	rddreg [dreg:$0x0];
	s2 =	stileid.u32  }
0x55: {  	s1 =	rddreg [dreg:$0x1];
	p0 =	sne.s32 s2, $0x0  }
0x56: {  	s3 =	rddreg [dreg:$0x2];
	[bflag:$0x3] =	sbarrier.arrive $0xFFFF;
	s2 =	simm.s32 @!p0 $0x1C02  }
0x57: {  	[timem:s3], [sflag:s2] =	dma.local @!p0 [hbm:s0], s1  }
0x58: {  	s0 =	simm.s32 @!p0 $0x2  }
0x59: {  	_ =	swait.ge @!p0 [sflag:s0], s1  }
0x5a: {  	s1 =	ssub.s32 @!p0 $0x0, s1;
	[sflag:s0] =	ssyncset.done @!p0 $0x0  }
0x5b: {  	[sflag:s0] =	ssyncadd.s32 @!p0 s1  }
0x5c: {  	[bflag:$0x3] =	sbarrier.arrive $0xFFFF  }
0x5d: {  	_ =	shalt  }

</sc_bundles>
